<compile_context>
chip_gen: v7x
topology: tpu7x:2x2x1
jax: 0.10.2.dev20260603
libtpu: 0.0.44.dev20260713+nightly
codegen_flags: <defaults>
</compile_context>

<pallas_src>
import functools

import jax
import jax.numpy as jnp
from jax import lax
from jax.experimental import pallas as pl
from jax.experimental.pallas import tpu as pltpu
from jax.experimental.pallas import tpu_sc as plsc

_B, _N = 32, 32768
_BN = 16384
_NB = _N // _BN
_V_PEAK = 30.0
_INH = -5.0
_NEG_INF = float("-inf")

_SC_CHUNK = 8192
_SC_NCHUNK = _N // _SC_CHUNK


def _lif_kernel(x_ref, z_ref, v_ref, i_ref, mx_ref, arg_ref, any_ref):
    j = pl.program_id(0)

    @pl.when(j == 0)
    def _init():
        mx_ref[0] = _NEG_INF
        arg_ref[0] = 0
        any_ref[0] = 0

    @pl.when(j < _NB)
    def _main():
        xb = x_ref[...]
        c = jnp.exp(jnp.float32(-1.0))
        v = 0.5 * (c + 0.5 * xb)
        spike = v >= _V_PEAK
        z_ref[...] = spike.astype(jnp.float32)
        i_ref[...] = 0.5 * xb
        v_ref[:, pl.ds(j * _BN, _BN)] = jnp.where(spike, 0.0, v)

        masked = jnp.where(spike[0:1, :], v[0:1, :], _NEG_INF)
        lmax = jnp.max(masked)
        col = jax.lax.broadcasted_iota(jnp.int32, (1, _BN), 1)
        larg = jnp.min(jnp.where(masked == lmax, col, _BN)) + j * _BN
        lany = jnp.any(spike)

        better = lmax > mx_ref[0]
        mx_ref[0] = jnp.where(better, lmax, mx_ref[0])
        arg_ref[0] = jnp.where(better, larg.astype(jnp.int32), arg_ref[0])
        any_ref[0] = jnp.maximum(any_ref[0], lany.astype(jnp.int32))

    @pl.when(j == _NB)
    def _fix():
        col = jax.lax.broadcasted_iota(jnp.int32, (1, _N), 1)
        apply_mask = jnp.logical_and(any_ref[0] > 0, col != arg_ref[0])
        v_ref[0:1, :] = jnp.where(apply_mask, _INH, v_ref[0:1, :])


@functools.partial(
    pl.kernel,
    out_type=jax.ShapeDtypeStruct((_B, _N), jnp.float32),
    mesh=plsc.VectorSubcoreMesh(
        core_axis_name="c", subcore_axis_name="s", num_cores=2, num_subcores=16
    ),
    scratch_types=[pltpu.VMEM((_SC_CHUNK,), jnp.float32)],
)
def _w_zero_sc(w_hbm, zbuf):
    wid = lax.axis_index("s") * 2 + lax.axis_index("c")

    def body(k, carry):
        zbuf[pl.ds(k * 16, 16)] = jnp.zeros((16,), jnp.float32)
        return carry

    lax.fori_loop(0, _SC_CHUNK // 16, body, 0)
    for ch in range(_SC_NCHUNK):
        pltpu.sync_copy(zbuf, w_hbm.at[wid, pl.ds(ch * _SC_CHUNK, _SC_CHUNK)])


def kernel(x, state_z, state_v, state_i, state_w):
    blk = lambda j: (0, jnp.minimum(j, _NB - 1))
    z, v_out, i_new, _mx, _arg, _any = pl.pallas_call(
        _lif_kernel,
        grid=(_NB + 1,),
        in_specs=[pl.BlockSpec((_B, _BN), blk)],
        out_specs=[
            pl.BlockSpec((_B, _BN), blk),
            pl.BlockSpec((_B, _N), lambda j: (0, 0)),
            pl.BlockSpec((_B, _BN), blk),
            pl.BlockSpec(memory_space=pltpu.SMEM),
            pl.BlockSpec(memory_space=pltpu.SMEM),
            pl.BlockSpec(memory_space=pltpu.SMEM),
        ],
        out_shape=[
            jax.ShapeDtypeStruct((_B, _N), jnp.float32),
            jax.ShapeDtypeStruct((_B, _N), jnp.float32),
            jax.ShapeDtypeStruct((_B, _N), jnp.float32),
            jax.ShapeDtypeStruct((1,), jnp.float32),
            jax.ShapeDtypeStruct((1,), jnp.int32),
            jax.ShapeDtypeStruct((1,), jnp.int32),
        ],
    )(x)

    w = _w_zero_sc()

    return (z, v_out, i_new, w)

# --- scband reference (transcript-rebuilt; emitter-appended) ---
"""Pipeline reference for scband-lateral-inhibition-lifcell-55740085567939 (READ-ONLY COPY).

The authoritative reference and input builder live on the scoring server;
editing this copy changes nothing except your own understanding.
"""

import jax, jax.numpy as jnp
import numpy as np

B, N = 32, 32768
TAU_SYN_INV = 0.5
TAU_MEM_INV = 0.5
TAU_ADAPT_INV = 0.5
V_REST = 0.0
V_RESET = 0.0
V_TH = 1.0
V_PEAK = 30.0
A_PARAM = 0.0
B_PARAM = 0.0
DELTA_T = 1.0
INHIBITION_STRENGTH = -5.0


def setup_inputs(seed: int = 0):
    key = jax.random.key(seed)
    x = jax.random.normal(jax.random.fold_in(key, 1), (B, N), dtype=jnp.float32) * 150.0
    state_z = jnp.zeros((B, N), jnp.float32)
    state_v = jnp.zeros((B, N), jnp.float32)
    state_i = jnp.zeros((B, N), jnp.float32)
    state_w = jnp.zeros((B, N), jnp.float32)
    return {"x": x, "state_z": state_z, "state_v": state_v, "state_i": state_i, "state_w": state_w}


def reference(x, state_z, state_v, state_i, state_w):
    # custom_lif_adex_step
    i_new = state_i + TAU_SYN_INV * (x - state_i)
    exp_term = DELTA_T * jnp.exp((state_v - V_TH) / DELTA_T)
    v_diff = -(state_v - V_REST) + exp_term + i_new - state_w
    v_new = state_v + TAU_MEM_INV * v_diff
    w_new = state_w + TAU_ADAPT_INV * (A_PARAM * (state_v - V_REST) - state_w)
    z_new = (v_new >= V_PEAK).astype(v_new.dtype)
    v_before_reset = v_new
    v_new = jnp.where(z_new > 0, V_RESET, v_new)
    w_new = jnp.where(z_new > 0, w_new + B_PARAM, w_new)
    # lateral inhibition: winner-take-all on batch row 0
    any_spike = jnp.any(z_new > 0)
    spike_mask0 = z_new[0] > 0
    masked_v = jnp.where(spike_mask0, v_before_reset[0], -jnp.inf)
    winner_idx = jnp.argmax(masked_v)
    inhibition_mask = jnp.ones((N,), dtype=bool).at[winner_idx].set(False)
    apply_mask = jnp.logical_and(any_spike, inhibition_mask)
    v_row0 = jnp.where(apply_mask, INHIBITION_STRENGTH, v_new[0])
    w_row0 = jnp.where(apply_mask, 0.0, w_new[0])
    v_out = v_new.at[0].set(v_row0)
    w_out = w_new.at[0].set(w_row0)
    return (z_new, v_out, i_new, w_out)

if __name__ == "__main__":
    import jax
    _d = setup_inputs()
    print(jax.jit(kernel)(*tuple(_d.values())))

</pallas_src>

<mosaic_0001>
#map = affine_map<(d0, d1) -> (0, 0)>
module attributes {stable_mosaic.version = 14 : i64} {
  func.func @_w_zero_sc(%arg0: i32, %arg1: i32, %arg2: memref<32x32768xf32, #tpu.memory_space<hbm>>, %arg3: memref<8192xf32, #tpu.memory_space<vmem>>) attributes {dimension_semantics = [#tpu.dimension_semantics<core_parallel>, #tpu.dimension_semantics<subcore_parallel>], iteration_bounds = array<i64: 2, 16>, scalar_prefetch = 0 : i64, scratch_operands = 1 : i64, tpu.core_type = #tpu.core_type<sc_vector_subcore>, window_params = [{transform_indices = #map}]} {
    %mul3A = arith.constant 2 : i32
    %mul3A_0 = arith.muli %arg1, %mul3A : i32
    %add3A = arith.addi %mul3A_0, %arg0 : i32
    %scan3A = arith.constant 0 : i32
    %scan3A_1 = arith.constant 0 : i32
    %scan3A_2 = arith.constant 512 : i32
    %scan3A_3 = arith.addi %scan3A_1, %scan3A_2 : i32
    %scan3A_4 = arith.constant 1 : i32
    scf.for %scan3A_6 = %scan3A_1 to %scan3A_3 step %scan3A_4  : i32 {
      %broadcast_in_dim3A = arith.constant 0.000000e+00 : f32
      %broadcast_in_dim3A_7 = vector.broadcast %broadcast_in_dim3A : f32 to vector<16xf32>
      %mul3A_8 = arith.constant 16 : i32
      %mul3A_9 = arith.muli %scan3A_6, %mul3A_8 : i32
      %swap3A = arith.index_cast %mul3A_9 : i32 to index
      %swap3A_10 = tpu.vector_load %arg3[%swap3A] {strides = array<i32>} : memref<8192xf32, #tpu.memory_space<vmem>>, vector<16xf32>,
      %swap3A_11 = vector.shape_cast %swap3A_10 : vector<16xf32> to vector<16xf32>
      %swap3A_12 = vector.shape_cast %broadcast_in_dim3A_7 : vector<16xf32> to vector<16xf32>
      tpu.vector_store %arg3[%swap3A], %swap3A_12 {strides = array<i32>} : memref<8192xf32, #tpu.memory_space<vmem>>, vector<16xf32>,
    }
    %scan3A_5 = arith.constant 512 : i32
    "tpu.region"() ({
      %run_scoped3A = tpu.sem_alloc : memref<!tpu.dma_semaphore, #tpu.memory_space<semaphore_mem>>
      %dma_start3A = arith.constant 0 : i32
      %dma_start3A_6 = tpu.memref_slice %arg2[%add3A, %dma_start3A] : memref<32x32768xf32, #tpu.memory_space<hbm>> -> memref<1x8192xf32, #tpu.memory_space<hbm>>
      %dma_start3A_7 = tpu.memref_squeeze %dma_start3A_6 : memref<1x8192xf32, #tpu.memory_space<hbm>> -> memref<8192xf32, #tpu.memory_space<hbm>>
      %dma_start3A_8 = arith.constant 0 : i32
      %dma_start3A_9 = tpu.memref_slice %arg2[%add3A, %dma_start3A_8] : memref<32x32768xf32, #tpu.memory_space<hbm>> -> memref<1x8192xf32, #tpu.memory_space<hbm>>
      %dma_start3A_10 = tpu.memref_squeeze %dma_start3A_9 : memref<1x8192xf32, #tpu.memory_space<hbm>> -> memref<8192xf32, #tpu.memory_space<hbm>>
      tpu.enqueue_dma source(%arg3 : memref<8192xf32, #tpu.memory_space<vmem>>) target(%dma_start3A_10 : memref<8192xf32, #tpu.memory_space<hbm>>) target_semaphore(%run_scoped3A : memref<!tpu.dma_semaphore, #tpu.memory_space<semaphore_mem>>)
      %dma_wait3A = arith.constant 0 : i32
      %dma_wait3A_11 = tpu.memref_slice %arg2[%add3A, %dma_wait3A] : memref<32x32768xf32, #tpu.memory_space<hbm>> -> memref<1x8192xf32, #tpu.memory_space<hbm>>
      %dma_wait3A_12 = tpu.memref_squeeze %dma_wait3A_11 : memref<1x8192xf32, #tpu.memory_space<hbm>> -> memref<8192xf32, #tpu.memory_space<hbm>>
      %dma_wait3A_13 = arith.constant 0 : i32
      %dma_wait3A_14 = tpu.memref_slice %arg2[%add3A, %dma_wait3A_13] : memref<32x32768xf32, #tpu.memory_space<hbm>> -> memref<1x8192xf32, #tpu.memory_space<hbm>>
      %dma_wait3A_15 = tpu.memref_squeeze %dma_wait3A_14 : memref<1x8192xf32, #tpu.memory_space<hbm>> -> memref<8192xf32, #tpu.memory_space<hbm>>
      tpu.wait_dma2 semaphore(%run_scoped3A : memref<!tpu.dma_semaphore, #tpu.memory_space<semaphore_mem>>) src(%arg3 : memref<8192xf32, #tpu.memory_space<vmem>>) dst(%dma_wait3A_15 : memref<8192xf32, #tpu.memory_space<hbm>>)
      tpu.yield
    }) : () -> ()
    "tpu.region"() ({
      %run_scoped3A = tpu.sem_alloc : memref<!tpu.dma_semaphore, #tpu.memory_space<semaphore_mem>>
      %dma_start3A = arith.constant 8192 : i32
      %dma_start3A_6 = tpu.memref_slice %arg2[%add3A, %dma_start3A] : memref<32x32768xf32, #tpu.memory_space<hbm>> -> memref<1x8192xf32, #tpu.memory_space<hbm>>
      %dma_start3A_7 = tpu.memref_squeeze %dma_start3A_6 : memref<1x8192xf32, #tpu.memory_space<hbm>> -> memref<8192xf32, #tpu.memory_space<hbm>>
      %dma_start3A_8 = arith.constant 8192 : i32
      %dma_start3A_9 = tpu.memref_slice %arg2[%add3A, %dma_start3A_8] : memref<32x32768xf32, #tpu.memory_space<hbm>> -> memref<1x8192xf32, #tpu.memory_space<hbm>>
      %dma_start3A_10 = tpu.memref_squeeze %dma_start3A_9 : memref<1x8192xf32, #tpu.memory_space<hbm>> -> memref<8192xf32, #tpu.memory_space<hbm>>
      tpu.enqueue_dma source(%arg3 : memref<8192xf32, #tpu.memory_space<vmem>>) target(%dma_start3A_10 : memref<8192xf32, #tpu.memory_space<hbm>>) target_semaphore(%run_scoped3A : memref<!tpu.dma_semaphore, #tpu.memory_space<semaphore_mem>>)
      %dma_wait3A = arith.constant 8192 : i32
      %dma_wait3A_11 = tpu.memref_slice %arg2[%add3A, %dma_wait3A] : memref<32x32768xf32, #tpu.memory_space<hbm>> -> memref<1x8192xf32, #tpu.memory_space<hbm>>
      %dma_wait3A_12 = tpu.memref_squeeze %dma_wait3A_11 : memref<1x8192xf32, #tpu.memory_space<hbm>> -> memref<8192xf32, #tpu.memory_space<hbm>>
      %dma_wait3A_13 = arith.constant 8192 : i32
      %dma_wait3A_14 = tpu.memref_slice %arg2[%add3A, %dma_wait3A_13] : memref<32x32768xf32, #tpu.memory_space<hbm>> -> memref<1x8192xf32, #tpu.memory_space<hbm>>
      %dma_wait3A_15 = tpu.memref_squeeze %dma_wait3A_14 : memref<1x8192xf32, #tpu.memory_space<hbm>> -> memref<8192xf32, #tpu.memory_space<hbm>>
      tpu.wait_dma2 semaphore(%run_scoped3A : memref<!tpu.dma_semaphore, #tpu.memory_space<semaphore_mem>>) src(%arg3 : memref<8192xf32, #tpu.memory_space<vmem>>) dst(%dma_wait3A_15 : memref<8192xf32, #tpu.memory_space<hbm>>)
      tpu.yield
    }) : () -> ()
    "tpu.region"() ({
      %run_scoped3A = tpu.sem_alloc : memref<!tpu.dma_semaphore, #tpu.memory_space<semaphore_mem>>
      %dma_start3A = arith.constant 16384 : i32
      %dma_start3A_6 = tpu.memref_slice %arg2[%add3A, %dma_start3A] : memref<32x32768xf32, #tpu.memory_space<hbm>> -> memref<1x8192xf32, #tpu.memory_space<hbm>>
      %dma_start3A_7 = tpu.memref_squeeze %dma_start3A_6 : memref<1x8192xf32, #tpu.memory_space<hbm>> -> memref<8192xf32, #tpu.memory_space<hbm>>
      %dma_start3A_8 = arith.constant 16384 : i32
      %dma_start3A_9 = tpu.memref_slice %arg2[%add3A, %dma_start3A_8] : memref<32x32768xf32, #tpu.memory_space<hbm>> -> memref<1x8192xf32, #tpu.memory_space<hbm>>
      %dma_start3A_10 = tpu.memref_squeeze %dma_start3A_9 : memref<1x8192xf32, #tpu.memory_space<hbm>> -> memref<8192xf32, #tpu.memory_space<hbm>>
      tpu.enqueue_dma source(%arg3 : memref<8192xf32, #tpu.memory_space<vmem>>) target(%dma_start3A_10 : memref<8192xf32, #tpu.memory_space<hbm>>) target_semaphore(%run_scoped3A : memref<!tpu.dma_semaphore, #tpu.memory_space<semaphore_mem>>)
      %dma_wait3A = arith.constant 16384 : i32
      %dma_wait3A_11 = tpu.memref_slice %arg2[%add3A, %dma_wait3A] : memref<32x32768xf32, #tpu.memory_space<hbm>> -> memref<1x8192xf32, #tpu.memory_space<hbm>>
      %dma_wait3A_12 = tpu.memref_squeeze %dma_wait3A_11 : memref<1x8192xf32, #tpu.memory_space<hbm>> -> memref<8192xf32, #tpu.memory_space<hbm>>
      %dma_wait3A_13 = arith.constant 16384 : i32
      %dma_wait3A_14 = tpu.memref_slice %arg2[%add3A, %dma_wait3A_13] : memref<32x32768xf32, #tpu.memory_space<hbm>> -> memref<1x8192xf32, #tpu.memory_space<hbm>>
      %dma_wait3A_15 = tpu.memref_squeeze %dma_wait3A_14 : memref<1x8192xf32, #tpu.memory_space<hbm>> -> memref<8192xf32, #tpu.memory_space<hbm>>
      tpu.wait_dma2 semaphore(%run_scoped3A : memref<!tpu.dma_semaphore, #tpu.memory_space<semaphore_mem>>) src(%arg3 : memref<8192xf32, #tpu.memory_space<vmem>>) dst(%dma_wait3A_15 : memref<8192xf32, #tpu.memory_space<hbm>>)
      tpu.yield
    }) : () -> ()
    "tpu.region"() ({
      %run_scoped3A = tpu.sem_alloc : memref<!tpu.dma_semaphore, #tpu.memory_space<semaphore_mem>>
      %dma_start3A = arith.constant 24576 : i32
      %dma_start3A_6 = tpu.memref_slice %arg2[%add3A, %dma_start3A] : memref<32x32768xf32, #tpu.memory_space<hbm>> -> memref<1x8192xf32, #tpu.memory_space<hbm>>
      %dma_start3A_7 = tpu.memref_squeeze %dma_start3A_6 : memref<1x8192xf32, #tpu.memory_space<hbm>> -> memref<8192xf32, #tpu.memory_space<hbm>>
      %dma_start3A_8 = arith.constant 24576 : i32
      %dma_start3A_9 = tpu.memref_slice %arg2[%add3A, %dma_start3A_8] : memref<32x32768xf32, #tpu.memory_space<hbm>> -> memref<1x8192xf32, #tpu.memory_space<hbm>>
      %dma_start3A_10 = tpu.memref_squeeze %dma_start3A_9 : memref<1x8192xf32, #tpu.memory_space<hbm>> -> memref<8192xf32, #tpu.memory_space<hbm>>
      tpu.enqueue_dma source(%arg3 : memref<8192xf32, #tpu.memory_space<vmem>>) target(%dma_start3A_10 : memref<8192xf32, #tpu.memory_space<hbm>>) target_semaphore(%run_scoped3A : memref<!tpu.dma_semaphore, #tpu.memory_space<semaphore_mem>>)
      %dma_wait3A = arith.constant 24576 : i32
      %dma_wait3A_11 = tpu.memref_slice %arg2[%add3A, %dma_wait3A] : memref<32x32768xf32, #tpu.memory_space<hbm>> -> memref<1x8192xf32, #tpu.memory_space<hbm>>
      %dma_wait3A_12 = tpu.memref_squeeze %dma_wait3A_11 : memref<1x8192xf32, #tpu.memory_space<hbm>> -> memref<8192xf32, #tpu.memory_space<hbm>>
      %dma_wait3A_13 = arith.constant 24576 : i32
      %dma_wait3A_14 = tpu.memref_slice %arg2[%add3A, %dma_wait3A_13] : memref<32x32768xf32, #tpu.memory_space<hbm>> -> memref<1x8192xf32, #tpu.memory_space<hbm>>
      %dma_wait3A_15 = tpu.memref_squeeze %dma_wait3A_14 : memref<1x8192xf32, #tpu.memory_space<hbm>> -> memref<8192xf32, #tpu.memory_space<hbm>>
      tpu.wait_dma2 semaphore(%run_scoped3A : memref<!tpu.dma_semaphore, #tpu.memory_space<semaphore_mem>>) src(%arg3 : memref<8192xf32, #tpu.memory_space<vmem>>) dst(%dma_wait3A_15 : memref<8192xf32, #tpu.memory_space<hbm>>)
      tpu.yield
    }) : () -> ()
    return
  }
}

module attributes {stable_mosaic.version = 14 : i64} {
  func.func @_lif_kernel(%arg0: i32, %arg1: memref<32x16384xf32, #tpu.memory_space<vmem>>, %arg2: memref<32x16384xf32, #tpu.memory_space<vmem>>, %arg3: memref<32x32768xf32, #tpu.memory_space<vmem>>, %arg4: memref<32x16384xf32, #tpu.memory_space<vmem>>, %arg5: memref<1xf32, #tpu.memory_space<smem>>, %arg6: memref<1xi32, #tpu.memory_space<smem>>, %arg7: memref<1xi32, #tpu.memory_space<smem>>) attributes {dimension_semantics = [#tpu.dimension_semantics<arbitrary>], iteration_bounds = array<i64: 3>, scalar_prefetch = 0 : i64, scratch_operands = 0 : i64, tpu.core_type = #tpu.core_type<tc>, window_params = [{transform_indices = @transform_0, window_bounds = array<i64: 32, 16384>}, {transform_indices = @transform_1, window_bounds = array<i64: 32, 16384>}, {pipeline_mode = #tpu.pipeline_mode<synchronous>, transform_indices = @transform_2, window_bounds = array<i64: 32, 32768>}, {transform_indices = @transform_3, window_bounds = array<i64: 32, 16384>}, {transform_indices = @transform_4, window_bounds = array<i64: 1>}, {transform_indices = @transform_5, window_bounds = array<i64: 1>}, {transform_indices = @transform_6, window_bounds = array<i64: 1>}]} {
    %eq3A = arith.constant 0 : i32
    %eq3A_0 = arith.cmpi eq, %arg0, %eq3A : i32
    %convert_element_type3A = arith.extui %eq3A_0 : i1 to i32
    %cond3A = arith.constant 0 : i32
    %cond3A_1 = arith.cmpi ne, %convert_element_type3A, %cond3A : i32
    scf.if %cond3A_1 {
      %swap3A = arith.constant 0xFF800000 : f32
      %swap3A_11 = arith.constant 0 : index
      %swap3A_12 = memref.load %arg5[%swap3A_11] : memref<1xf32, #tpu.memory_space<smem>>
      memref.store %swap3A, %arg5[%swap3A_11] : memref<1xf32, #tpu.memory_space<smem>>
      %swap3A_13 = arith.constant 0 : i32
      %swap3A_14 = arith.constant 0 : index
      %swap3A_15 = memref.load %arg6[%swap3A_14] : memref<1xi32, #tpu.memory_space<smem>>
      memref.store %swap3A_13, %arg6[%swap3A_14] : memref<1xi32, #tpu.memory_space<smem>>
      %swap3A_16 = arith.constant 0 : i32
      %swap3A_17 = arith.constant 0 : index
      %swap3A_18 = memref.load %arg7[%swap3A_17] : memref<1xi32, #tpu.memory_space<smem>>
      memref.store %swap3A_16, %arg7[%swap3A_17] : memref<1xi32, #tpu.memory_space<smem>>
    } else {
    }
    %lt3A = arith.constant 2 : i32
    %lt3A_2 = arith.cmpi slt, %arg0, %lt3A : i32
    %convert_element_type3A_3 = arith.extui %lt3A_2 : i1 to i32
    %cond3A_4 = arith.constant 0 : i32
    %cond3A_5 = arith.cmpi ne, %convert_element_type3A_3, %cond3A_4 : i32
    scf.if %cond3A_5 {
      %get3A = arith.constant 0 : index
      %get3A_11 = arith.constant 0 : index
      %get3A_12 = vector.load %arg1[%get3A, %get3A_11] : memref<32x16384xf32, #tpu.memory_space<vmem>>, vector<32x16384xf32>
      %exp3A = arith.constant -1.000000e+00 : f32
      %exp3A_13 = math.exp %exp3A : f32
      %mul3A = arith.constant 5.000000e-01 : f32
      %mul3A_14 = vector.broadcast %mul3A : f32 to vector<32x16384xf32>
      %mul3A_15 = arith.mulf %mul3A_14, %get3A_12 : vector<32x16384xf32>
      %add3A = vector.broadcast %exp3A_13 : f32 to vector<32x16384xf32>
      %add3A_16 = arith.addf %add3A, %mul3A_15 : vector<32x16384xf32>
      %mul3A_17 = arith.constant 5.000000e-01 : f32
      %mul3A_18 = vector.broadcast %mul3A_17 : f32 to vector<32x16384xf32>
      %mul3A_19 = arith.mulf %mul3A_18, %add3A_16 : vector<32x16384xf32>
      %ge3A = arith.constant 3.000000e+01 : f32
      %ge3A_20 = vector.broadcast %ge3A : f32 to vector<32x16384xf32>
      %ge3A_21 = arith.cmpf oge, %mul3A_19, %ge3A_20 : vector<32x16384xf32>
      %convert_element_type3A_22 = arith.extui %ge3A_21 : vector<32x16384xi1> to vector<32x16384xi32>
      %convert_element_type3A_23 = arith.sitofp %convert_element_type3A_22 : vector<32x16384xi32> to vector<32x16384xf32>
      %swap3A = arith.constant 0 : index
      %swap3A_24 = arith.constant 0 : index
      %swap3A_25 = vector.load %arg2[%swap3A, %swap3A_24] : memref<32x16384xf32, #tpu.memory_space<vmem>>, vector<32x16384xf32>
      tpu.vector_store %arg2[%swap3A, %swap3A_24], %convert_element_type3A_23 {strides = array<i32>} : memref<32x16384xf32, #tpu.memory_space<vmem>>, vector<32x16384xf32>,
      %mul3A_26 = arith.constant 5.000000e-01 : f32
      %mul3A_27 = vector.broadcast %mul3A_26 : f32 to vector<32x16384xf32>
      %mul3A_28 = arith.mulf %mul3A_27, %get3A_12 : vector<32x16384xf32>
      %swap3A_29 = arith.constant 0 : index
      %swap3A_30 = arith.constant 0 : index
      %swap3A_31 = vector.load %arg4[%swap3A_29, %swap3A_30] : memref<32x16384xf32, #tpu.memory_space<vmem>>, vector<32x16384xf32>
      tpu.vector_store %arg4[%swap3A_29, %swap3A_30], %mul3A_28 {strides = array<i32>} : memref<32x16384xf32, #tpu.memory_space<vmem>>, vector<32x16384xf32>,
      %jit3A = arith.constant 0.000000e+00 : f32
      %broadcast_in_dim3A = vector.broadcast %jit3A : f32 to vector<32x16384xf32>
      %select_n3A = arith.select %ge3A_21, %broadcast_in_dim3A, %mul3A_19 : vector<32x16384xi1>, vector<32x16384xf32>
      %mul3A_32 = arith.constant 16384 : i32
      %mul3A_33 = arith.muli %arg0, %mul3A_32 : i32
      %swap3A_34 = arith.constant 0 : index
      %swap3A_35 = arith.index_cast %mul3A_33 : i32 to index
      %swap3A_36 = vector.load %arg3[%swap3A_34, %swap3A_35] : memref<32x32768xf32, #tpu.memory_space<vmem>>, vector<32x16384xf32>
      tpu.vector_store %arg3[%swap3A_34, %swap3A_35], %select_n3A {strides = array<i32>} : memref<32x32768xf32, #tpu.memory_space<vmem>>, vector<32x16384xf32>,
      %slice3A = vector.extract_strided_slice %ge3A_21 {offsets = [0, 0], sizes = [1, 16384], strides = [1, 1]} : vector<32x16384xi1> to vector<1x16384xi1>
      %slice3A_37 = vector.extract_strided_slice %mul3A_19 {offsets = [0, 0], sizes = [1, 16384], strides = [1, 1]} : vector<32x16384xf32> to vector<1x16384xf32>
      %jit3A_38 = arith.constant 0xFF800000 : f32
      %broadcast_in_dim3A_39 = vector.broadcast %jit3A_38 : f32 to vector<1x16384xf32>
      %select_n3A_40 = arith.select %slice3A, %slice3A_37, %broadcast_in_dim3A_39 : vector<1x16384xi1>, vector<1x16384xf32>
      %reduce_max3A = vector.shape_cast %select_n3A_40 : vector<1x16384xf32> to vector<1x1x16384xf32>
      %reduce_max3A_41 = arith.constant dense<0xFF800000> : vector<1xf32>
      %reduce_max3A_42 = vector.multi_reduction <maximumf>, %reduce_max3A, %reduce_max3A_41 [1, 2] : vector<1x1x16384xf32> to vector<1xf32>
      %reduce_max3A_43 = vector.shape_cast %reduce_max3A_42 : vector<1xf32> to vector<1x1x1xf32>
      %reduce_max3A_44 = vector.extract %reduce_max3A_43[0, 0, 0] : f32 from vector<1x1x1xf32>
      %iota3A = tpu.iota {dimensions = array<i32: 1>} : vector<1x16384xi32>
      %eq3A_45 = vector.broadcast %reduce_max3A_44 : f32 to vector<1x16384xf32>
      %eq3A_46 = arith.cmpf oeq, %select_n3A_40, %eq3A_45 : vector<1x16384xf32>
      %jit3A_47 = arith.constant 16384 : i32
      %broadcast_in_dim3A_48 = vector.broadcast %jit3A_47 : i32 to vector<1x16384xi32>
      %select_n3A_49 = arith.select %eq3A_46, %iota3A, %broadcast_in_dim3A_48 : vector<1x16384xi1>, vector<1x16384xi32>
      %reduce_min3A = vector.shape_cast %select_n3A_49 : vector<1x16384xi32> to vector<1x1x16384xi32>
      %reduce_min3A_50 = arith.constant dense<2147483647> : vector<1xi32>
      %reduce_min3A_51 = vector.multi_reduction <minsi>, %reduce_min3A, %reduce_min3A_50 [1, 2] : vector<1x1x16384xi32> to vector<1xi32>
      %reduce_min3A_52 = vector.shape_cast %reduce_min3A_51 : vector<1xi32> to vector<1x1x1xi32>
      %reduce_min3A_53 = vector.extract %reduce_min3A_52[0, 0, 0] : i32 from vector<1x1x1xi32>
      %mul3A_54 = arith.constant 16384 : i32
      %mul3A_55 = arith.muli %arg0, %mul3A_54 : i32
      %add3A_56 = arith.addi %reduce_min3A_53, %mul3A_55 : i32
      %reduce_or3A = arith.constant 1.000000e+00 : f32
      %reduce_or3A_57 = arith.constant 0.000000e+00 : f32
      %reduce_or3A_58 = vector.broadcast %reduce_or3A : f32 to vector<32x16384xf32>
      %reduce_or3A_59 = vector.broadcast %reduce_or3A_57 : f32 to vector<32x16384xf32>
      %reduce_or3A_60 = arith.select %ge3A_21, %reduce_or3A_58, %reduce_or3A_59 : vector<32x16384xi1>, vector<32x16384xf32>
      %reduce_or3A_61 = vector.shape_cast %reduce_or3A_60 : vector<32x16384xf32> to vector<1x32x16384xf32>
      %reduce_or3A_62 = arith.constant dense<0xFF800000> : vector<1xf32>
      %reduce_or3A_63 = vector.multi_reduction <maximumf>, %reduce_or3A_61, %reduce_or3A_62 [1, 2] : vector<1x32x16384xf32> to vector<1xf32>
      %reduce_or3A_64 = vector.shape_cast %reduce_or3A_63 : vector<1xf32> to vector<1x1x1xf32>
      %reduce_or3A_65 = vector.extract %reduce_or3A_64[0, 0, 0] : f32 from vector<1x1x1xf32>
      %reduce_or3A_66 = arith.constant 0.000000e+00 : f32
      %reduce_or3A_67 = arith.cmpf ogt, %reduce_or3A_65, %reduce_or3A_66 : f32
      %get3A_68 = arith.constant 0 : index
      %get3A_69 = memref.load %arg5[%get3A_68] : memref<1xf32, #tpu.memory_space<smem>>
      %gt3A = arith.cmpf ogt, %reduce_max3A_44, %get3A_69 : f32
      %get3A_70 = arith.constant 0 : index
      %get3A_71 = memref.load %arg5[%get3A_70] : memref<1xf32, #tpu.memory_space<smem>>
      %select_n3A_72 = arith.select %gt3A, %reduce_max3A_44, %get3A_71 : f32
      %swap3A_73 = arith.constant 0 : index
      %swap3A_74 = memref.load %arg5[%swap3A_73] : memref<1xf32, #tpu.memory_space<smem>>
      memref.store %select_n3A_72, %arg5[%swap3A_73] : memref<1xf32, #tpu.memory_space<smem>>
      %get3A_75 = arith.constant 0 : index
      %get3A_76 = memref.load %arg6[%get3A_75] : memref<1xi32, #tpu.memory_space<smem>>
      %select_n3A_77 = arith.select %gt3A, %add3A_56, %get3A_76 : i32
      %swap3A_78 = arith.constant 0 : index
      %swap3A_79 = memref.load %arg6[%swap3A_78] : memref<1xi32, #tpu.memory_space<smem>>
      memref.store %select_n3A_77, %arg6[%swap3A_78] : memref<1xi32, #tpu.memory_space<smem>>
      %get3A_80 = arith.constant 0 : index
      %get3A_81 = memref.load %arg7[%get3A_80] : memref<1xi32, #tpu.memory_space<smem>>
      %convert_element_type3A_82 = arith.extui %reduce_or3A_67 : i1 to i32
      %max3A = arith.maxsi %get3A_81, %convert_element_type3A_82 : i32
      %swap3A_83 = arith.constant 0 : index
      %swap3A_84 = memref.load %arg7[%swap3A_83] : memref<1xi32, #tpu.memory_space<smem>>
      memref.store %max3A, %arg7[%swap3A_83] : memref<1xi32, #tpu.memory_space<smem>>
    } else {
    }
    %eq3A_6 = arith.constant 2 : i32
    %eq3A_7 = arith.cmpi eq, %arg0, %eq3A_6 : i32
    %convert_element_type3A_8 = arith.extui %eq3A_7 : i1 to i32
    %cond3A_9 = arith.constant 0 : i32
    %cond3A_10 = arith.cmpi ne, %convert_element_type3A_8, %cond3A_9 : i32
    scf.if %cond3A_10 {
      %iota3A = tpu.iota {dimensions = array<i32: 1>} : vector<1x32768xi32>
      %get3A = arith.constant 0 : index
      %get3A_11 = memref.load %arg7[%get3A] : memref<1xi32, #tpu.memory_space<smem>>
      %gt3A = arith.constant 0 : i32
      %gt3A_12 = arith.cmpi sgt, %get3A_11, %gt3A : i32
      %get3A_13 = arith.constant 0 : index
      %get3A_14 = memref.load %arg6[%get3A_13] : memref<1xi32, #tpu.memory_space<smem>>
      %ne3A = vector.broadcast %get3A_14 : i32 to vector<1x32768xi32>
      %ne3A_15 = arith.cmpi ne, %iota3A, %ne3A : vector<1x32768xi32>
      %and3A = vector.broadcast %gt3A_12 : i1 to vector<1x32768xi1>
      %and3A_16 = arith.andi %and3A, %ne3A_15 : vector<1x32768xi1>
      %get3A_17 = arith.constant 0 : index
      %get3A_18 = arith.constant 0 : index
      %get3A_19 = vector.load %arg3[%get3A_17, %get3A_18] : memref<32x32768xf32, #tpu.memory_space<vmem>>, vector<1x32768xf32>
      %jit3A = arith.constant -5.000000e+00 : f32
      %broadcast_in_dim3A = vector.broadcast %jit3A : f32 to vector<1x32768xf32>
      %select_n3A = arith.select %and3A_16, %broadcast_in_dim3A, %get3A_19 : vector<1x32768xi1>, vector<1x32768xf32>
      %swap3A = arith.constant 0 : index
      %swap3A_20 = arith.constant 0 : index
      %swap3A_21 = vector.load %arg3[%swap3A, %swap3A_20] : memref<32x32768xf32, #tpu.memory_space<vmem>>, vector<1x32768xf32>
      tpu.vector_store %arg3[%swap3A, %swap3A_20], %select_n3A {strides = array<i32>} : memref<32x32768xf32, #tpu.memory_space<vmem>>, vector<1x32768xf32>,
    } else {
    }
    return
  }
  func.func @transform_0(%arg0: i32) -> (i32, i32) {
    %min3A = arith.constant 1 : i32
    %min3A_0 = arith.minsi %arg0, %min3A : i32
    %c0_i32 = arith.constant 0 : i32
    %c0_i32_1 = arith.constant 0 : i32
    return %c0_i32, %min3A_0 : i32, i32
  }
  func.func @transform_1(%arg0: i32) -> (i32, i32) {
    %min3A = arith.constant 1 : i32
    %min3A_0 = arith.minsi %arg0, %min3A : i32
    %c0_i32 = arith.constant 0 : i32
    %c0_i32_1 = arith.constant 0 : i32
    return %c0_i32, %min3A_0 : i32, i32
  }
  func.func @transform_2(%arg0: i32) -> (i32, i32) {
    %c0_i32 = arith.constant 0 : i32
    %c0_i32_0 = arith.constant 0 : i32
    %c0_i32_1 = arith.constant 0 : i32
    return %c0_i32, %c0_i32_0 : i32, i32
  }
  func.func @transform_3(%arg0: i32) -> (i32, i32) {
    %min3A = arith.constant 1 : i32
    %min3A_0 = arith.minsi %arg0, %min3A : i32
    %c0_i32 = arith.constant 0 : i32
    %c0_i32_1 = arith.constant 0 : i32
    return %c0_i32, %min3A_0 : i32, i32
  }
  func.func @transform_4(%arg0: i32) -> i32 {
    %c0_i32 = arith.constant 0 : i32
    %c0_i32_0 = arith.constant 0 : i32
    return %c0_i32 : i32
  }
  func.func @transform_5(%arg0: i32) -> i32 {
    %c0_i32 = arith.constant 0 : i32
    %c0_i32_0 = arith.constant 0 : i32
    return %c0_i32 : i32
  }
  func.func @transform_6(%arg0: i32) -> i32 {
    %c0_i32 = arith.constant 0 : i32
    %c0_i32_0 = arith.constant 0 : i32
    return %c0_i32 : i32
  }
}

</mosaic_0001>

<sc_bundles>
// kernel: kernel.4.cloned.1.call-start
scs
__scs_entry_jumppad:
0x0: {  	(pc) =	sbr.rel $0x88, $3  }
0x1: {  	(tag) =	ssettag $0x0;
	lr =	simm.s32 $0x1  }
0x2: {  	[smem:$0x3FA0] =	sst lr;
	_ =	strace $0xD0000000  }
0x3: {  	_ = 	snop  }
0x4: {  	_ = 	snop  }
0x5: {  	_ = 	snop  }
0x6: {  	_ = 	snop  }
0x7: {  	_ = 	snop  }
__scs_overlays_trampoline_lowered:
0x8: {  	[smem:$0x3FAF] =	sst s0  }
0x9: {  	[smem:$0x3FB0] =	sst s1  }
0xa: {  	[smem:$0x3FB1] =	sst s2  }
0xb: {  	[smem:$0x3FB2] =	sst s3  }
0xc: {  	[smem:$0x3FB3] =	sst s4  }
0xd: {  	[smem:$0x3FB4] =	sst s5  }
0xe: {  	[smem:$0x3FB5] =	sst s6  }
0xf: {  	[smem:$0x3FB6] =	sst s7  }
0x10: {  	[smem:$0x3FB7] =	sst s8  }
0x11: {  	[smem:$0x3FB8] =	sst s9;
	s0 =	simm.s32 @!p0 $0x0  }
0x12: {  	s1 =	sld [smem:$0x3F9E];
	s0 =	simm.s32 @p0 $0x1  }
0x13: {  	[smem:$0x3FB9] =	sst s0;
	s0 =	simm.s32 @!p1 $0x0  }
0x14: {  	s2 =	sld [smem:$0x3F9D];
	s0 =	simm.s32 @p1 $0x1  }
0x15: {  	[smem:$0x3FBA] =	sst s0;
	s0 =	simm.s32 @!p2 $0x0  }
0x16: {  	s3 =	sld [smem:$0x3FDB];
	s0 =	simm.s32 @p2 $0x1  }
0x17: {  	s4 =	simm.s32 $0x1BF5;
	[smem:$0x3FBC] =	sst s0  }
0x18: {  	s0 =	sld [smem:$0x3F9F];
	_ =	swait.ge [sflag:s4], $0x0  }
0x19: {  	s7 =	sld [smem:$0x3FA0]  }
0x1a: {  	s8 =	sadd.s32 $0xFFFFE003, lr  }
0x1b: {  	s9 =	sadd.s32 $0xFFFFFEF7, lr;
	s5 =	simm.s32 $0xFFFFFFFF;
	p2 =	slt.u32 s8, $0xFFFFF086  }
0x1c: {  	p1 =	slt.u32 s9, $0xF7A;
	s5 =	simm.s32 @!p2 $0x0  }
0x1d: {  	s5 =	simm.s32 @p1 $0x1;
	p0 =	seq.s32 s7, s2  }
0x1e: {  	s7 =	smul.u32 @!p0 $0xF7A, s2;
	p2 =	seq.s32 @!p0 s5, $0x0  }
0x1f: {  	s9 =	smul.u32 $0xF7A, s1;
	s8 =	simm.s32 @!p0 $0x1BF5;
	p2 =	por !p2, p0  }
0x20: {  	[sflag:s8] =	ssyncset.s32 @!p0 $0xFFFFF086;
	s6 =	sadd.s32 @!p0 s3, s7;
	s7 =	simm.s32 @!p0 $0x108  }
0x21: {  	s3 =	sadd.s32 s3, s9;
	s6 =	sadd.s32 @!p0 $0x88, s6;
	s7 =	simm.s32 @p2 $0x1082  }
0x22: {  	[simem:s7], [sflag:s8] =	dma.local @!p0 [hbm:s6], $0xF7A  }
0x23: {  	s9 =	sor.u32 $0xD0000000, s2;
	s6 =	simm.s32 $0x108;
	_ =	swait.ge @!p0 [sflag:s8], $0x0  }
0x24: {  	s3 =	sadd.s32 $0x88, s3;
	s6 =	simm.s32 @!p1 $0x1082;
	[sflag:s4] =	ssyncset.s32 $0xFFFFF086  }
0x25: {  	[simem:s6], [sflag:s4] =	dma.local [hbm:s3], $0xF7A  }
0x26: {  	[smem:$0x3FA0] =	sst s1;
	(tag) =	ssettag s2;
	_ =	strace s9  }
0x27: {  	s1 =	sld [smem:$0x3FB0]  }
0x28: {  	s2 =	sld [smem:$0x3FB1]  }
0x29: {  	s4 =	sld [smem:$0x3FB3]  }
0x2a: {  	p0 =	seq.s32 s5, $0x0;
	s5 =	sld [smem:$0x3FB4]  }
0x2b: {  	s6 =	sld [smem:$0x3FB5]  }
0x2c: {  	s7 =	sld [smem:$0x3FB6]  }
0x2d: {  	s3 =	simm.s32 $0x108;
	s8 =	sld [smem:$0x3FB7]  }
0x2e: {  	s3 =	simm.s32 @!p0 $0x1082;
	s9 =	sld [smem:$0x3FB8]  }
0x2f: {  	lr =	sadd.s32 s0, s3;
	s0 =	sld [smem:$0x3FAF]  }
0x30: {  	s3 =	sld [smem:$0x3FB2]  }
0x31: {  	[smem:$0x3FBB] =	sst s10  }
0x32: {  	s10 =	sld [smem:$0x3FB9];
	_ =	sdelay $0x3  }
0x33: {  	p0 =	seq.s32 s10, $0x1;
	s10 =	sld [smem:$0x3FBB];
	_ =	sdelay $0x3  }
0x34: {  	[smem:$0x3FBB] =	sst s10  }
0x35: {  	s10 =	sld [smem:$0x3FBA];
	_ =	sdelay $0x3  }
0x36: {  	p1 =	seq.s32 s10, $0x1;
	s10 =	sld [smem:$0x3FBB];
	_ =	sdelay $0x3  }
0x37: {  	[smem:$0x3FBB] =	sst s10  }
0x38: {  	s10 =	sld [smem:$0x3FBC]  }
0x39: {  	_ = 	snop;
	(pc) =	sbr.ind lr, $3  }
0x3a: {  	_ = 	snop  }
0x3b: {  	_ = 	snop  }
0x3c: {  	p2 =	seq.s32 s10, $0x1;
	s10 =	sld [smem:$0x3FBB]  }
0x3d: {  	_ =	shalt  }
0x3e: {  	_ =	shalt  }
0x3f: {  	_ =	shalt  }
0x40: {  	_ =	shalt  }
0x41: {  	_ =	shalt  }
0x42: {  	_ =	shalt  }
0x43: {  	_ =	shalt  }
0x44: {  	_ =	shalt  }
0x45: {  	_ =	shalt  }
0x46: {  	_ =	shalt  }
0x47: {  	_ =	shalt  }
0x48: {  	_ =	shalt  }
0x49: {  	_ =	shalt  }
0x4a: {  	_ =	shalt  }
0x4b: {  	_ =	shalt  }
0x4c: {  	_ =	shalt  }
0x4d: {  	_ =	shalt  }
0x4e: {  	_ =	shalt  }
0x4f: {  	_ =	shalt  }
0x50: {  	_ =	shalt  }
0x51: {  	_ =	shalt  }
0x52: {  	_ =	shalt  }
0x53: {  	_ =	shalt  }
0x54: {  	_ =	shalt  }
0x55: {  	_ =	shalt  }
0x56: {  	_ =	shalt  }
0x57: {  	_ =	shalt  }
0x58: {  	_ =	shalt  }
0x59: {  	_ =	shalt  }
0x5a: {  	_ =	shalt  }
0x5b: {  	_ =	shalt  }
0x5c: {  	_ =	shalt  }
0x5d: {  	_ =	shalt  }
0x5e: {  	_ =	shalt  }
0x5f: {  	_ =	shalt  }
0x60: {  	_ =	shalt  }
0x61: {  	_ =	shalt  }
0x62: {  	_ =	shalt  }
0x63: {  	_ =	shalt  }
0x64: {  	_ =	shalt  }
0x65: {  	_ =	shalt  }
0x66: {  	_ =	shalt  }
0x67: {  	_ =	shalt  }
0x68: {  	_ =	shalt  }
0x69: {  	_ =	shalt  }
0x6a: {  	_ =	shalt  }
0x6b: {  	_ =	shalt  }
0x6c: {  	_ =	shalt  }
0x6d: {  	_ =	shalt  }
0x6e: {  	_ =	shalt  }
0x6f: {  	_ =	shalt  }
0x70: {  	_ =	shalt  }
0x71: {  	_ =	shalt  }
0x72: {  	_ =	shalt  }
0x73: {  	_ =	shalt  }
0x74: {  	_ =	shalt  }
0x75: {  	_ =	shalt  }
0x76: {  	_ =	shalt  }
0x77: {  	_ =	shalt  }
0x78: {  	_ =	shalt  }
0x79: {  	_ =	shalt  }
0x7a: {  	_ =	shalt  }
0x7b: {  	_ =	shalt  }
0x7c: {  	_ =	shalt  }
0x7d: {  	_ =	shalt  }
0x7e: {  	_ =	shalt  }
0x7f: {  	_ =	shalt  }
0x80: {  	_ =	shalt  }
0x81: {  	_ =	shalt  }
0x82: {  	_ =	shalt  }
0x83: {  	_ =	shalt  }
0x84: {  	_ =	shalt  }
0x85: {  	_ =	shalt  }
0x86: {  	_ =	shalt  }
0x87: {  	_ =	shalt  }
.Lfunc_end0:
.L_simem_size_0:
called_computation_lowered:
.L_overlay_start_0:
0x88: {  	s2 =	sld [smem:$0x3FD9]  }
0x89: {  	s3 =	sld [smem:$0x3FFE];
	_ =	sdelay $0x1  }
0x8a: {  	s1 =	srdreg.scid  }
0x8b: {  	s0 =	sand.u32 $0x1, s1  }
0x8c: {  	s15 =	sshll.u32 s0, $0xA;
	s2 =	sadd.s32 s3, s2  }
0x8d: {  	s2 =	sadd.s32 s2, s15  }
0x8e: {  	[smem:$0x3FC7] =	sst s2  }
0x8f: {  	_ = 	snop  }
0x90: {  	s2 =	sld [smem:$0x3FD0];
	_ =	sdelay $0x2  }
0x91: {  	s16 =	simm.s32 $0xA;
	s4 =	simm.s32 $0x10  }
0x92: {  	[smem:s4], [sflag:s16] =	dma.local [hbm:s2], $0x1  }
0x93: {  	_ =	swait.eq [sflag:s16], $0x1  }
0x94: {  	[sflag:s16] =	ssyncset.done $0x0  }
0x95: {  	[sflag:s16] =	ssyncadd.s32 $0xFFFFFFFF  }
0x96: {  	s17 =	sld [smem:$0x13];
	(tm) =	ssettm $0x1  }
0x97: {  	s18 =	sld [smem:$0x3FFB];
	_ =	sdelay $0x3  }
0x98: {  	_ =	strace s18  }
0x99: {  	s3 =	sld [smem:$0x3FFC];
	_ =	sdelay $0x3  }
0x9a: {  	_ =	strace s3  }
0x9b: {  	s3 =	sld [smem:$0x3FFD];
	_ =	sdelay $0x3  }
0x9c: {  	_ =	strace s3  }
0x9d: {  	_ =	strace $0x8FFFFFFF  }
0x9e: {  	s19 =	sld [smem:$0x3FDB];
	_ =	sdelay $0x1  }
0x9f: {  	s20 =	simm.s32 $_scs_section_size  }
0xa0: {  	s5 =	simm.s32 $_size__tile_overlayer_lowered;
	s6 =	simm.s32 $_tile_overlayer_lowered  }
0xa1: {  	s23 =	simm.s32 $0x1BFF;
	s22 =	sshll.u32 s6, $0x1;
	s3 =	sadd.s32 s20, s19  }
0xa2: {  	s7 =	simm.s32 $0x0;
	s21 =	sshll.u32 s5, $0x1;
	s5 =	sadd.s32 s22, s3  }
0xa3: {  	[timem:s7], [sflag:s23] =	dma.local [hbm:s5], s21  }
0xa4: {  	_ =	swait.ge [sflag:s23], s21  }
0xa5: {  	s4 =	ssub.s32 $0x0, s21;
	[sflag:s23] =	ssyncset.done $0x0  }
0xa6: {  	[sflag:s23] =	ssyncadd.s32 s4;
	_ =	sdelay $0x1  }
0xa7: {  	s24 =	simm.s32 $0x1B8B  }
0xa8: {  	_ =	swait.ge [sflag:s24], $0x1  }
0xa9: {  	[sflag:s24] =	ssyncset.done $0x0  }
0xaa: {  	s25 =	simm.s32 $0x1B8E;
	[sflag:s24] =	ssyncadd.s32 $0xFFFFFFFF  }
0xab: {  	s26 =	simm.s32 $execute0_lowered;
	[smem:$0x3FD2] =	sst s25  }
0xac: {  	s4 =	sshll.u32 s26, $0x1;
	_ =	strace $0x80000046;
	[dreg:$0x1] =	wrdreg $0xFFFFFFFF  }
0xad: {  	s28 =	simm.s32 $_size_execute0_lowered;
	s3 =	sadd.s32 s3, s4;
	[dreg:$0x0] =	wrdreg $0x0  }
0xae: {  	s4 =	sshll.u32 s28, $0x1;
	[dreg:$0x2] =	wrdreg s3  }
0xaf: {  	[dreg:$0x3] =	wrdreg s4  }
0xb0: {  	[dreg:$0x4] =	wrdreg $0xC0  }
0xb1: {  	_ =	task [dreg:s7], $0x5FFFF  }
0xb2: {  	[dreg:$0x1] =	wrdreg $0xFFFFFFFF  }
0xb3: {  	[dreg:$0x0] =	wrdreg $0x60  }
0xb4: {  	[dreg:$0x2] =	wrdreg s17  }
0xb5: {  	[dreg:$0x3] =	wrdreg $0x9  }
0xb6: {  	_ =	task.clear_ibuf [dreg:s7], $0x4FFFF;
	_ =	strace $0x90000046  }
0xb7: {  	s29 =	simm.s32 $0x9;
	_ =	strace $0x80000048  }
0xb8: {  	_ =	swait.ge [sflag:s29], $0x1  }
0xb9: {  	[sflag:s29] =	ssyncadd.s32 $0xFFFFFFFF  }
0xba: {  	_ =	strace $0x90000048  }
0xbb: {  	_ =	sfence  }
0xbc: {  	s30 =	sld [smem:$0x0];
	_ =	sdelay $0x2  }
0xbd: {  	s31 =	sshll.u32 s1, $0xD;
	s1 =	sshrl.u32 s1, $0x2  }
0xbe: {  	s3 =	sand.u32 $0x4000, s31;
	s1 =	sadd.s32 s1, s30  }
0xbf: {  	s0 =	sor.u32 s3, s0;
	s1 =	sshll.u32 s1, $0x11  }
0xc0: {  	s0 =	sor.u32 s1, s0  }
0xc1: {  	s0 =	sadd.s32 $0x8F2B, s0  }
0xc2: {  	[sflag:s0] =	ssyncadd.remote.s32 $0x1  }
0xc3: {  	_ =	sfence.sel $0xFFFF  }
0xc4: {  	[dreg:$0x0] =	wrdreg $0xFFFFFFFF;
	(pc) =	sbr.abs _section_cstart, $3  }
0xc5: {  	[dreg:$0x1] =	wrdreg $0xFFFFFFFF  }
0xc6: {  	_ =	task.clear_ibuf [dreg:s7], $0x2FFFF;
	_ =	strace $0x9FFFFFFF  }
0xc7: {  	(tm) =	ssettm $0x7FFFFFFF  }
tec
execute0_lowered:
.L_overlay_start_1:
0x0: {  	(tag) =	ssettag $0x1  }
0x1: {  	s3 =	rddreg [dreg:$0x0]  }
0x2: {  	s2 =	srdreg.scid;
	s1 =	stileid.u32  }
0x3: {  	s0 =	rddreg [dreg:$0x1];
	s8 =	simm.s32 $0x80;
	s9 =	simm.s32 $0x400  }
0x4: {  	s10 =	simm.s32 $0x1;
	s11 =	simm.s32 $0x0;
	s4 =	sand.u32 $0x1, s2  }
0x5: {  	s29 =	sshll.u32 s1, $0x5;
	s5 =	sshll.u32 s1, $0xD;
	s2 =	simm.s32 $0x0  }
0x6: {  	s6 =	sshll.u32 s4, $0x4;
	s7 =	sand.u32 $0x60, s29;
	s4 =	ssub.s32 $0x2, s4  }
0x7: {  	s5 =	sand.u32 $0x18000, s5;
	s6 =	sor.u32 s6, s7;
	s30 =	sshrl.u32 s4, $0x1  }
0x8: {  	[smem:$0x7FF] =	sst s2;
	s5 =	sor.u32 s5, s6;
	s31 =	ssub.s32 s4, s30  }
0x9: {  	_ =	strace $0x80000047;
	s3 =	sadd.s32 s3, s5;
	s7 =	smax.u32 s31, $0x1  }
0xa: {  	v0 =	vimm.f32 $0.0e+00;
	s4 =	sadd.s32 $0x2000, s3;
	s5 =	sadd.s32 $0x4000, s3;
	s6 =	sadd.s32 $0x6000, s3  }
.LBB2_1:
0xb: {  	s12 =	simm.s32 $0x40;
	s13 =	simm.s32 $0x0  }
.LBB2_2:
0xc: {  	p0 =	sne.s32 s12, $0x7FC0;
	[tilespmem:s13+$0x0] =	vst v0;
	s13 =	smov.u32 s12;
	s12 =	sadd.s32 $0x40, s12  }
.Ltmp0:
0xd: {  	(pc) =	sbr.rel @p0 .LBB2_2-.Ltmp0, $2  }
0xe: {  	_ =	sdelay $0x2  }
0xf: {  	s13 =	sshra.s32 s13, $0x2  }
0x10: {  	[tilespmem:s13+$0x0] =	vst v0  }
0x11: {  	[hbm4b:s3+s8] =	stream.strided.scatter [tilespmem:s2], [sflag:$0x1], $0x2000, s9, s8, $0x38;
	[tilespmem:$0x2000] =	vst v63  }
0x12: {  	_ =	swait.ge [sflag:s10], $0x2000  }
0x13: {  	[sflag:s10] =	ssyncset.done $0x0  }
0x14: {  	[sflag:s10] =	ssyncadd.s32 $0xFFFFE000  }
0x15: {  	[hbm4b:s4+s8] =	stream.strided.scatter [tilespmem:s2], [sflag:$0x1], $0x2000, s9, s8, $0x38;
	[tilespmem:$0x2000] =	vst v63  }
0x16: {  	_ =	swait.ge [sflag:s10], $0x2000  }
0x17: {  	[sflag:s10] =	ssyncset.done $0x0  }
0x18: {  	[sflag:s10] =	ssyncadd.s32 $0xFFFFE000  }
0x19: {  	[hbm4b:s5+s8] =	stream.strided.scatter [tilespmem:s2], [sflag:$0x1], $0x2000, s9, s8, $0x38;
	[tilespmem:$0x2000] =	vst v63  }
0x1a: {  	s11 =	sadd.s32 $0x1, s11;
	_ =	swait.ge [sflag:s10], $0x2000  }
0x1b: {  	p0 =	sne.s32 s11, s7;
	[sflag:s10] =	ssyncset.done $0x0  }
.Ltmp1:
0x1c: {  	[sflag:s10] =	ssyncadd.s32 $0xFFFFE000;
	(pc) =	sbr.rel @p0 .LBB2_1-.Ltmp1, $4  }
0x1d: {  	[hbm4b:s6+s8] =	stream.strided.scatter [tilespmem:s2], [sflag:$0x1], $0x2000, s9, s8, $0x38;
	[tilespmem:$0x2000] =	vst v63  }
0x1e: {  	_ =	swait.ge [sflag:s10], $0x2000  }
0x1f: {  	[sflag:s10] =	ssyncset.done $0x0  }
0x20: {  	[sflag:s10] =	ssyncadd.s32 $0xFFFFE000  }
0x21: {  	_ =	sfence.sel $0x180000  }
0x22: {  	[bflag:$0x0] =	sbarrier.arrive $0xFFFF  }
0x23: {  	p0 =	sne.s32 s1, $0x0;
	_ =	strace $0x90000047  }
0x24: {  	s0 =	sadd.s32 @!p0 $0x100000, s0;
	[bflag:$0x2] =	sbarrier.arrive $0xFFFF  }
0x25: {  	[sflag:s0] =	ssyncadd.tile.s32 @!p0 $0x1;
	_ =	shalt  }
.Lfunc_end2:
_tile_overlayer_lowered:
.L_overlay_start_2:
0x26: {  	(tag) =	ssettag $0x2  }
0x27: {  	s0 =	rddreg [dreg:$0x0];
	s2 =	stileid.u32  }
0x28: {  	s1 =	rddreg [dreg:$0x1];
	p0 =	sne.s32 s2, $0x0  }
0x29: {  	s3 =	rddreg [dreg:$0x2];
	[bflag:$0x3] =	sbarrier.arrive $0xFFFF;
	s2 =	simm.s32 @!p0 $0x1C01  }
0x2a: {  	[timem:s3], [sflag:s2] =	dma.local @!p0 [hbm:s0], s1  }
0x2b: {  	s0 =	simm.s32 @!p0 $0x1  }
0x2c: {  	_ =	swait.ge @!p0 [sflag:s0], s1  }
0x2d: {  	s1 =	ssub.s32 @!p0 $0x0, s1;
	[sflag:s0] =	ssyncset.done @!p0 $0x0  }
0x2e: {  	[sflag:s0] =	ssyncadd.s32 @!p0 s1  }
0x2f: {  	[bflag:$0x3] =	sbarrier.arrive $0xFFFF  }
0x30: {  	_ =	shalt  }

</sc_bundles>
